<compile_context>
chip_gen: v7x
topology: tpu7x:2x2x1
jax: 0.10.2.dev20260603
libtpu: 0.0.44.dev20260713+nightly
codegen_flags: <defaults>
</compile_context>

<pallas_src>
import functools

import jax
import jax.numpy as jnp
from jax import lax
from jax.experimental import pallas as pl
from jax.experimental.pallas import tpu as pltpu
from jax.experimental.pallas import tpu_sc as plsc

_info = plsc.get_sparse_core_info()
_NC, _NS = _info.num_cores, _info.num_subcores
_NW = _NC * _NS


def _make_gather(batch: int, hist: int, emb_dim: int, nb: int):
    rows_per_w = batch // _NW
    n_chunks = rows_per_w // nb
    assert batch % _NW == 0 and rows_per_w % nb == 0
    n_flat = nb * hist
    mesh = plsc.VectorSubcoreMesh(core_axis_name="c", subcore_axis_name="s")

    @functools.partial(
        pl.kernel,
        mesh=mesh,
        out_type=jax.ShapeDtypeStruct((batch * hist, emb_dim), jnp.float32),
        scratch_types=[
            pltpu.VMEM((n_flat,), jnp.int32),
            pltpu.VMEM((n_flat, emb_dim), jnp.float32),
            pltpu.SemaphoreType.DMA,
            pltpu.SemaphoreType.DMA,
        ],
        compiler_params=pltpu.CompilerParams(use_tc_tiling_on_sc=False),
    )
    def gather_kernel(idx_hbm, table_hbm, out_hbm, flat_v, rows_v, sem, sem2):
        wid = lax.axis_index("s") * _NC + lax.axis_index("c")
        base = wid * rows_per_w

        def body(i, carry):
            r0 = base + i * nb
            pltpu.sync_copy(idx_hbm.at[pl.ds(r0 * hist, n_flat)], flat_v)
            pltpu.async_copy(table_hbm.at[flat_v], rows_v, sem).wait()
            pltpu.sync_copy(rows_v, out_hbm.at[pl.ds(r0 * hist, n_flat)])
            return carry

        lax.fori_loop(0, n_chunks, body, 0)

    return gather_kernel


def kernel(inputs, table):
    batch, hist = inputs.shape
    n_vocab, emb_dim = table.shape
    idx_flat = jnp.minimum(inputs.reshape(-1), jnp.int32(n_vocab - 1))
    flat = _make_gather(batch, hist, emb_dim, nb=64)(idx_flat, table)
    return (flat * jnp.float32(1.0000001)).reshape(batch, hist, emb_dim)

# --- scband reference (transcript-rebuilt; emitter-appended) ---
"""Pipeline reference for scband-word-embedding-41815801594430 (READ-ONLY COPY).

The authoritative reference and input builder live on the scoring server;
editing this copy changes nothing except your own understanding.
"""

import jax, jax.numpy as jnp
import numpy as np

N_VOCAB = 1000000
EMB_DIM = 32
PAD_IDX = 0
BATCH = 16384
HIST = 50

def setup_inputs(seed: int = 0) -> dict:
    key = jax.random.key(seed)
    k1, k2 = jax.random.split(key)
    inputs = jax.random.randint(k1, (BATCH, HIST), 0, N_VOCAB, dtype=jnp.int64 if jax.config.jax_enable_x64 else jnp.int32)
    table = jax.random.normal(k2, (N_VOCAB, EMB_DIM), dtype=jnp.float32)
    # nn.Embedding with padding_idx zeros out the pad row at init
    table = table.at[PAD_IDX].set(0.0)
    return {"inputs": inputs, "table": table}

def reference(inputs, table):
    # WordEmbedding.forward: return self.word_embedding(inputs)
    return jnp.take(table, inputs, axis=0)

if __name__ == "__main__":
    import jax
    _d = setup_inputs()
    print(jax.jit(kernel)(*tuple(_d.values())))

</pallas_src>

<mosaic_0001>
#map = affine_map<(d0, d1) -> (0)>
#map1 = affine_map<(d0, d1) -> (0, 0)>
module attributes {stable_mosaic.version = 14 : i64} {
  func.func @gather_kernel(%arg0: i32, %arg1: i32, %arg2: memref<819200xi32, #tpu.memory_space<hbm>>, %arg3: memref<1000000x32xf32, #tpu.memory_space<hbm>>, %arg4: memref<819200x32xf32, #tpu.memory_space<hbm>>, %arg5: memref<3200xi32, #tpu.memory_space<vmem>>, %arg6: memref<3200x32xf32, #tpu.memory_space<vmem>>, %arg7: memref<!tpu.dma_semaphore, #tpu.memory_space<semaphore_mem>>, %arg8: memref<!tpu.dma_semaphore, #tpu.memory_space<semaphore_mem>>) attributes {dimension_semantics = [#tpu.dimension_semantics<core_parallel>, #tpu.dimension_semantics<subcore_parallel>], iteration_bounds = array<i64: 2, 16>, scalar_prefetch = 0 : i64, scratch_operands = 4 : i64, tpu.core_type = #tpu.core_type<sc_vector_subcore>, window_params = [{transform_indices = #map}, {transform_indices = #map1}, {transform_indices = #map1}]} {
    %mul3A = arith.constant 2 : i32
    %mul3A_0 = arith.muli %arg1, %mul3A : i32
    %add3A = arith.addi %mul3A_0, %arg0 : i32
    %mul3A_1 = arith.constant 512 : i32
    %mul3A_2 = arith.muli %add3A, %mul3A_1 : i32
    %scan3A = arith.constant 0 : i32
    %scan3A_3 = arith.constant 0 : i32
    %scan3A_4 = arith.constant 8 : i32
    %scan3A_5 = arith.addi %scan3A_3, %scan3A_4 : i32
    %scan3A_6 = arith.constant 1 : i32
    scf.for %scan3A_8 = %scan3A_3 to %scan3A_5 step %scan3A_6  : i32 {
      %mul3A_9 = arith.constant 64 : i32
      %mul3A_10 = arith.muli %scan3A_8, %mul3A_9 : i32
      %add3A_11 = arith.addi %mul3A_2, %mul3A_10 : i32
      %mul3A_12 = arith.constant 50 : i32
      %mul3A_13 = arith.muli %add3A_11, %mul3A_12 : i32
      "tpu.region"() ({
        %run_scoped3A = tpu.sem_alloc : memref<!tpu.dma_semaphore, #tpu.memory_space<semaphore_mem>>
        %dma_start3A_20 = tpu.memref_slice %arg2[%mul3A_13] : memref<819200xi32, #tpu.memory_space<hbm>> -> memref<3200xi32, #tpu.memory_space<hbm>>
        %dma_start3A_21 = tpu.memref_slice %arg2[%mul3A_13] : memref<819200xi32, #tpu.memory_space<hbm>> -> memref<3200xi32, #tpu.memory_space<hbm>>
        tpu.enqueue_dma source(%dma_start3A_21 : memref<3200xi32, #tpu.memory_space<hbm>>) target(%arg5 : memref<3200xi32, #tpu.memory_space<vmem>>) target_semaphore(%run_scoped3A : memref<!tpu.dma_semaphore, #tpu.memory_space<semaphore_mem>>)
        %dma_wait3A_22 = tpu.memref_slice %arg2[%mul3A_13] : memref<819200xi32, #tpu.memory_space<hbm>> -> memref<3200xi32, #tpu.memory_space<hbm>>
        %dma_wait3A_23 = tpu.memref_slice %arg2[%mul3A_13] : memref<819200xi32, #tpu.memory_space<hbm>> -> memref<3200xi32, #tpu.memory_space<hbm>>
        tpu.wait_dma2 semaphore(%run_scoped3A : memref<!tpu.dma_semaphore, #tpu.memory_space<semaphore_mem>>) src(%dma_wait3A_23 : memref<3200xi32, #tpu.memory_space<hbm>>) dst(%arg5 : memref<3200xi32, #tpu.memory_space<vmem>>)
        tpu.yield
      }) : () -> ()
      %dma_start3A = arith.constant 0 : i32
      %dma_start3A_14 = arith.constant 0 : i32
      %dma_start3A_15 = tpu.memref_slice %arg3[%dma_start3A, %dma_start3A_14] : memref<1000000x32xf32, #tpu.memory_space<hbm>> -> memref<1000000x32xf32, #tpu.memory_space<hbm>>
      tpu.enqueue_indirect_dma source(%dma_start3A_15 : memref<1000000x32xf32, #tpu.memory_space<hbm>>) target(%arg6 : memref<3200x32xf32, #tpu.memory_space<vmem>>) offsets(%arg5 : memref<3200xi32, #tpu.memory_space<vmem>>) semaphore(%arg7 : memref<!tpu.dma_semaphore, #tpu.memory_space<semaphore_mem>>)
      %dma_wait3A = arith.constant 0 : i32
      %dma_wait3A_16 = arith.constant 0 : i32
      %dma_wait3A_17 = tpu.memref_slice %arg3[%dma_wait3A, %dma_wait3A_16] : memref<1000000x32xf32, #tpu.memory_space<hbm>> -> memref<1000000x32xf32, #tpu.memory_space<hbm>>
      tpu.wait_indirect_dma semaphore(%arg7 : memref<!tpu.dma_semaphore, #tpu.memory_space<semaphore_mem>>) src(%dma_wait3A_17 : memref<1000000x32xf32, #tpu.memory_space<hbm>>) dst(%arg6 : memref<3200x32xf32, #tpu.memory_space<vmem>>)
      %mul3A_18 = arith.constant 50 : i32
      %mul3A_19 = arith.muli %add3A_11, %mul3A_18 : i32
      "tpu.region"() ({
        %run_scoped3A = tpu.sem_alloc : memref<!tpu.dma_semaphore, #tpu.memory_space<semaphore_mem>>
        %dma_start3A_20 = arith.constant 0 : i32
        %dma_start3A_21 = tpu.memref_slice %arg4[%mul3A_19, %dma_start3A_20] : memref<819200x32xf32, #tpu.memory_space<hbm>> -> memref<3200x32xf32, #tpu.memory_space<hbm>>
        %dma_start3A_22 = arith.constant 0 : i32
        %dma_start3A_23 = tpu.memref_slice %arg4[%mul3A_19, %dma_start3A_22] : memref<819200x32xf32, #tpu.memory_space<hbm>> -> memref<3200x32xf32, #tpu.memory_space<hbm>>
        tpu.enqueue_dma source(%arg6 : memref<3200x32xf32, #tpu.memory_space<vmem>>) target(%dma_start3A_23 : memref<3200x32xf32, #tpu.memory_space<hbm>>) target_semaphore(%run_scoped3A : memref<!tpu.dma_semaphore, #tpu.memory_space<semaphore_mem>>)
        %dma_wait3A_24 = arith.constant 0 : i32
        %dma_wait3A_25 = tpu.memref_slice %arg4[%mul3A_19, %dma_wait3A_24] : memref<819200x32xf32, #tpu.memory_space<hbm>> -> memref<3200x32xf32, #tpu.memory_space<hbm>>
        %dma_wait3A_26 = arith.constant 0 : i32
        %dma_wait3A_27 = tpu.memref_slice %arg4[%mul3A_19, %dma_wait3A_26] : memref<819200x32xf32, #tpu.memory_space<hbm>> -> memref<3200x32xf32, #tpu.memory_space<hbm>>
        tpu.wait_dma2 semaphore(%run_scoped3A : memref<!tpu.dma_semaphore, #tpu.memory_space<semaphore_mem>>) src(%arg6 : memref<3200x32xf32, #tpu.memory_space<vmem>>) dst(%dma_wait3A_27 : memref<3200x32xf32, #tpu.memory_space<hbm>>)
        tpu.yield
      }) : () -> ()
    }
    %scan3A_7 = arith.constant 8 : i32
    return
  }
}

</mosaic_0001>

<sc_bundles>
// kernel: kernel.3.cloned.1.call-start
scs
__scs_entry_jumppad:
0x0: {  	(pc) =	sbr.rel $0x88, $3  }
0x1: {  	(tag) =	ssettag $0x0;
	lr =	simm.s32 $0x1  }
0x2: {  	[smem:$0x3F9F] =	sst lr;
	_ =	strace $0xD0000000  }
0x3: {  	_ = 	snop  }
0x4: {  	_ = 	snop  }
0x5: {  	_ = 	snop  }
0x6: {  	_ = 	snop  }
0x7: {  	_ = 	snop  }
__scs_overlays_trampoline_lowered:
0x8: {  	[smem:$0x3FAE] =	sst s0  }
0x9: {  	[smem:$0x3FAF] =	sst s1  }
0xa: {  	[smem:$0x3FB0] =	sst s2  }
0xb: {  	[smem:$0x3FB1] =	sst s3  }
0xc: {  	[smem:$0x3FB2] =	sst s4  }
0xd: {  	[smem:$0x3FB3] =	sst s5  }
0xe: {  	[smem:$0x3FB4] =	sst s6  }
0xf: {  	[smem:$0x3FB5] =	sst s7  }
0x10: {  	[smem:$0x3FB6] =	sst s8  }
0x11: {  	[smem:$0x3FB7] =	sst s9;
	s0 =	simm.s32 @!p0 $0x0  }
0x12: {  	s1 =	sld [smem:$0x3F9D];
	s0 =	simm.s32 @p0 $0x1  }
0x13: {  	[smem:$0x3FB8] =	sst s0;
	s0 =	simm.s32 @!p1 $0x0  }
0x14: {  	s2 =	sld [smem:$0x3F9C];
	s0 =	simm.s32 @p1 $0x1  }
0x15: {  	[smem:$0x3FB9] =	sst s0;
	s0 =	simm.s32 @!p2 $0x0  }
0x16: {  	s3 =	sld [smem:$0x3FDB];
	s0 =	simm.s32 @p2 $0x1  }
0x17: {  	s4 =	simm.s32 $0x1BF5;
	[smem:$0x3FBB] =	sst s0  }
0x18: {  	s0 =	sld [smem:$0x3F9E];
	_ =	swait.ge [sflag:s4], $0x0  }
0x19: {  	s7 =	sld [smem:$0x3F9F]  }
0x1a: {  	s8 =	sadd.s32 $0xFFFFE003, lr  }
0x1b: {  	s9 =	sadd.s32 $0xFFFFFEF7, lr;
	s5 =	simm.s32 $0xFFFFFFFF;
	p2 =	slt.u32 s8, $0xFFFFF086  }
0x1c: {  	p1 =	slt.u32 s9, $0xF7A;
	s5 =	simm.s32 @!p2 $0x0  }
0x1d: {  	s5 =	simm.s32 @p1 $0x1;
	p0 =	seq.s32 s7, s2  }
0x1e: {  	s7 =	smul.u32 @!p0 $0xF7A, s2;
	p2 =	seq.s32 @!p0 s5, $0x0  }
0x1f: {  	s9 =	smul.u32 $0xF7A, s1;
	s8 =	simm.s32 @!p0 $0x1BF5;
	p2 =	por !p2, p0  }
0x20: {  	[sflag:s8] =	ssyncset.s32 @!p0 $0xFFFFF086;
	s6 =	sadd.s32 @!p0 s3, s7;
	s7 =	simm.s32 @!p0 $0x108  }
0x21: {  	s3 =	sadd.s32 s3, s9;
	s6 =	sadd.s32 @!p0 $0x88, s6;
	s7 =	simm.s32 @p2 $0x1082  }
0x22: {  	[simem:s7], [sflag:s8] =	dma.local @!p0 [hbm:s6], $0xF7A  }
0x23: {  	s9 =	sor.u32 $0xD0000000, s2;
	s6 =	simm.s32 $0x108;
	_ =	swait.ge @!p0 [sflag:s8], $0x0  }
0x24: {  	s3 =	sadd.s32 $0x88, s3;
	s6 =	simm.s32 @!p1 $0x1082;
	[sflag:s4] =	ssyncset.s32 $0xFFFFF086  }
0x25: {  	[simem:s6], [sflag:s4] =	dma.local [hbm:s3], $0xF7A  }
0x26: {  	[smem:$0x3F9F] =	sst s1;
	(tag) =	ssettag s2;
	_ =	strace s9  }
0x27: {  	s1 =	sld [smem:$0x3FAF]  }
0x28: {  	s2 =	sld [smem:$0x3FB0]  }
0x29: {  	s4 =	sld [smem:$0x3FB2]  }
0x2a: {  	p0 =	seq.s32 s5, $0x0;
	s5 =	sld [smem:$0x3FB3]  }
0x2b: {  	s6 =	sld [smem:$0x3FB4]  }
0x2c: {  	s7 =	sld [smem:$0x3FB5]  }
0x2d: {  	s3 =	simm.s32 $0x108;
	s8 =	sld [smem:$0x3FB6]  }
0x2e: {  	s3 =	simm.s32 @!p0 $0x1082;
	s9 =	sld [smem:$0x3FB7]  }
0x2f: {  	lr =	sadd.s32 s0, s3;
	s0 =	sld [smem:$0x3FAE]  }
0x30: {  	s3 =	sld [smem:$0x3FB1]  }
0x31: {  	[smem:$0x3FBA] =	sst s10  }
0x32: {  	s10 =	sld [smem:$0x3FB8];
	_ =	sdelay $0x3  }
0x33: {  	p0 =	seq.s32 s10, $0x1;
	s10 =	sld [smem:$0x3FBA];
	_ =	sdelay $0x3  }
0x34: {  	[smem:$0x3FBA] =	sst s10  }
0x35: {  	s10 =	sld [smem:$0x3FB9];
	_ =	sdelay $0x3  }
0x36: {  	p1 =	seq.s32 s10, $0x1;
	s10 =	sld [smem:$0x3FBA];
	_ =	sdelay $0x3  }
0x37: {  	[smem:$0x3FBA] =	sst s10  }
0x38: {  	s10 =	sld [smem:$0x3FBB]  }
0x39: {  	_ = 	snop;
	(pc) =	sbr.ind lr, $3  }
0x3a: {  	_ = 	snop  }
0x3b: {  	_ = 	snop  }
0x3c: {  	p2 =	seq.s32 s10, $0x1;
	s10 =	sld [smem:$0x3FBA]  }
0x3d: {  	_ =	shalt  }
0x3e: {  	_ =	shalt  }
0x3f: {  	_ =	shalt  }
0x40: {  	_ =	shalt  }
0x41: {  	_ =	shalt  }
0x42: {  	_ =	shalt  }
0x43: {  	_ =	shalt  }
0x44: {  	_ =	shalt  }
0x45: {  	_ =	shalt  }
0x46: {  	_ =	shalt  }
0x47: {  	_ =	shalt  }
0x48: {  	_ =	shalt  }
0x49: {  	_ =	shalt  }
0x4a: {  	_ =	shalt  }
0x4b: {  	_ =	shalt  }
0x4c: {  	_ =	shalt  }
0x4d: {  	_ =	shalt  }
0x4e: {  	_ =	shalt  }
0x4f: {  	_ =	shalt  }
0x50: {  	_ =	shalt  }
0x51: {  	_ =	shalt  }
0x52: {  	_ =	shalt  }
0x53: {  	_ =	shalt  }
0x54: {  	_ =	shalt  }
0x55: {  	_ =	shalt  }
0x56: {  	_ =	shalt  }
0x57: {  	_ =	shalt  }
0x58: {  	_ =	shalt  }
0x59: {  	_ =	shalt  }
0x5a: {  	_ =	shalt  }
0x5b: {  	_ =	shalt  }
0x5c: {  	_ =	shalt  }
0x5d: {  	_ =	shalt  }
0x5e: {  	_ =	shalt  }
0x5f: {  	_ =	shalt  }
0x60: {  	_ =	shalt  }
0x61: {  	_ =	shalt  }
0x62: {  	_ =	shalt  }
0x63: {  	_ =	shalt  }
0x64: {  	_ =	shalt  }
0x65: {  	_ =	shalt  }
0x66: {  	_ =	shalt  }
0x67: {  	_ =	shalt  }
0x68: {  	_ =	shalt  }
0x69: {  	_ =	shalt  }
0x6a: {  	_ =	shalt  }
0x6b: {  	_ =	shalt  }
0x6c: {  	_ =	shalt  }
0x6d: {  	_ =	shalt  }
0x6e: {  	_ =	shalt  }
0x6f: {  	_ =	shalt  }
0x70: {  	_ =	shalt  }
0x71: {  	_ =	shalt  }
0x72: {  	_ =	shalt  }
0x73: {  	_ =	shalt  }
0x74: {  	_ =	shalt  }
0x75: {  	_ =	shalt  }
0x76: {  	_ =	shalt  }
0x77: {  	_ =	shalt  }
0x78: {  	_ =	shalt  }
0x79: {  	_ =	shalt  }
0x7a: {  	_ =	shalt  }
0x7b: {  	_ =	shalt  }
0x7c: {  	_ =	shalt  }
0x7d: {  	_ =	shalt  }
0x7e: {  	_ =	shalt  }
0x7f: {  	_ =	shalt  }
0x80: {  	_ =	shalt  }
0x81: {  	_ =	shalt  }
0x82: {  	_ =	shalt  }
0x83: {  	_ =	shalt  }
0x84: {  	_ =	shalt  }
0x85: {  	_ =	shalt  }
0x86: {  	_ =	shalt  }
0x87: {  	_ =	shalt  }
.Lfunc_end0:
.L_simem_size_0:
called_computation.2_lowered:
.L_overlay_start_0:
0x88: {  	s2 =	sld [smem:$0x3FD9]  }
0x89: {  	s3 =	sld [smem:$0x3FFE];
	_ =	sdelay $0x1  }
0x8a: {  	s1 =	srdreg.scid  }
0x8b: {  	s0 =	sand.u32 $0x1, s1  }
0x8c: {  	s17 =	sshll.u32 s0, $0xA;
	s2 =	sadd.s32 s3, s2  }
0x8d: {  	s2 =	sadd.s32 s2, s17  }
0x8e: {  	[smem:$0x3FC6] =	sst s2  }
0x8f: {  	_ = 	snop  }
0x90: {  	s2 =	sld [smem:$0x3FD0];
	(tm) =	ssettm $0x1  }
0x91: {  	s18 =	sld [smem:$0x3FFB];
	_ =	sdelay $0x3  }
0x92: {  	_ =	strace s18  }
0x93: {  	s3 =	sld [smem:$0x3FFC];
	_ =	sdelay $0x3  }
0x94: {  	_ =	strace s3  }
0x95: {  	s3 =	sld [smem:$0x3FFD];
	_ =	sdelay $0x3  }
0x96: {  	_ =	strace s3  }
0x97: {  	_ =	strace $0x8FFFFFFF  }
0x98: {  	s19 =	sld [smem:$0x3FDB];
	_ =	sdelay $0x1  }
0x99: {  	s4 =	simm.s32 $_scs_section_size  }
0x9a: {  	s5 =	simm.s32 $_size__tile_overlayer_lowered;
	s6 =	simm.s32 $_tile_overlayer_lowered  }
0x9b: {  	s22 =	simm.s32 $0x1BFF;
	s21 =	sshll.u32 s6, $0x1;
	s3 =	sadd.s32 s4, s19  }
0x9c: {  	s7 =	simm.s32 $0x0;
	s20 =	sshll.u32 s5, $0x1;
	s5 =	sadd.s32 s21, s3  }
0x9d: {  	[timem:s7], [sflag:s22] =	dma.local [hbm:s5], s20  }
0x9e: {  	_ =	swait.ge [sflag:s22], s20  }
0x9f: {  	s4 =	ssub.s32 $0x0, s20;
	[sflag:s22] =	ssyncset.done $0x0  }
0xa0: {  	[sflag:s22] =	ssyncadd.s32 s4;
	_ =	sdelay $0x1  }
0xa1: {  	s23 =	simm.s32 $0x1B8B  }
0xa2: {  	_ =	swait.ge [sflag:s23], $0x1  }
0xa3: {  	[sflag:s23] =	ssyncset.done $0x0  }
0xa4: {  	s25 =	simm.s32 $0x1B8E;
	s24 =	sld [smem:$0x3FFE];
	[sflag:s23] =	ssyncadd.s32 $0xFFFFFFFF  }
0xa5: {  	s26 =	simm.s32 $execute0_lowered;
	[smem:$0x3FD2] =	sst s25  }
0xa6: {  	s5 =	sshll.u32 s26, $0x1;
	_ =	strace $0x80000046;
	[dreg:$0x1] =	wrdreg $0xFFFFFFFF  }
0xa7: {  	s28 =	simm.s32 $_size_execute0_lowered;
	s3 =	sadd.s32 s3, s5;
	[dreg:$0x0] =	wrdreg $0x0  }
0xa8: {  	s5 =	sshll.u32 s28, $0x1;
	[dreg:$0x2] =	wrdreg s3  }
0xa9: {  	[dreg:$0x3] =	wrdreg s5  }
0xaa: {  	[dreg:$0x4] =	wrdreg $0xC0  }
0xab: {  	_ =	task [dreg:s7], $0x5FFFF  }
0xac: {  	[dreg:$0x1] =	wrdreg $0xFFFFFFFF  }
0xad: {  	[dreg:$0x0] =	wrdreg $0x60  }
0xae: {  	[dreg:$0x2] =	wrdreg s24  }
0xaf: {  	[dreg:$0x3] =	wrdreg s2  }
0xb0: {  	[dreg:$0x4] =	wrdreg $0x9  }
0xb1: {  	_ =	task.clear_ibuf [dreg:s7], $0x5FFFF;
	_ =	strace $0x90000046  }
0xb2: {  	s29 =	simm.s32 $0x9;
	_ =	strace $0x80000048  }
0xb3: {  	_ =	swait.ge [sflag:s29], $0x1  }
0xb4: {  	[sflag:s29] =	ssyncadd.s32 $0xFFFFFFFF  }
0xb5: {  	_ =	strace $0x90000048  }
0xb6: {  	_ =	sfence  }
0xb7: {  	s30 =	sld [smem:$0x0];
	_ =	sdelay $0x2  }
0xb8: {  	s31 =	sshll.u32 s1, $0xD;
	s1 =	sshrl.u32 s1, $0x2  }
0xb9: {  	s3 =	sand.u32 $0x4000, s31;
	s1 =	sadd.s32 s1, s30  }
0xba: {  	s0 =	sor.u32 s3, s0;
	s1 =	sshll.u32 s1, $0x11  }
0xbb: {  	s0 =	sor.u32 s1, s0  }
0xbc: {  	s0 =	sadd.s32 $0x8F2B, s0  }
0xbd: {  	[sflag:s0] =	ssyncadd.remote.s32 $0x1  }
0xbe: {  	_ =	sfence.sel $0xFFFF  }
0xbf: {  	[dreg:$0x0] =	wrdreg $0xFFFFFFFF;
	(pc) =	sbr.abs _section_cstart, $3  }
0xc0: {  	[dreg:$0x1] =	wrdreg $0xFFFFFFFF  }
0xc1: {  	_ =	task.clear_ibuf [dreg:s7], $0x2FFFF;
	_ =	strace $0x9FFFFFFF  }
0xc2: {  	(tm) =	ssettm $0x7FFFFFFF  }
0xc3: {  	_ =	shalt  }
tec
execute0_lowered:
.L_overlay_start_1:
0x0: {  	(tag) =	ssettag $0x1  }
0x1: {  	s3 =	rddreg [dreg:$0x0];
	s1 =	srdreg.scid  }
0x2: {  	s0 =	stileid.u32;
	s5 =	rddreg [dreg:$0x1]  }
0x3: {  	s2 =	simm.s32 $0x0;
	s10 =	simm.s32 $0x0;
	s6 =	smul.u32 $0xC800, s0  }
0x4: {  	s4 =	sand.u32 $0x1, s1;
	s1 =	rddreg [dreg:$0x2];
	s9 =	smul.u32 $0x32000, s0  }
0x5: {  	[smem:$0x7FF] =	sst s2;
	s7 =	smul.u32 $0x6400, s4;
	s29 =	ssub.s32 $0x2, s4  }
0x6: {  	_ =	strace $0x80000047;
	s30 =	smul.u32 $0x19000, s4;
	s8 =	sshrl.u32 s29, $0x1  }
0x7: {  	s31 =	sadd.s32 s9, s5;
	s9 =	simm.s32 $0x1;
	s6 =	sadd.s32 s7, s6  }
0x8: {  	s7 =	ssub.s32 s29, s8;
	s8 =	simm.s32 $0xC80;
	s6 =	sshrl.u32 s6, $0x3  }
0x9: {  	s4 =	smax.u32 s7, $0x1;
	s7 =	simm.s32 $0x2;
	s6 =	sadd.s32 s6, s3  }
0xa: {  	s3 =	sadd.s32 $0xF43200, s3;
	s5 =	sadd.s32 $0xE00, s6;
	s6 =	sadd.s32 s30, s31  }
.LBB2_1:
0xb: {  	s11 =	sadd.s32 $0x0, s5  }
0xc: {  	[tilespmem:s2], [sflag:$0x2] =	stream.linear.gather [hbm4b:s11+s2], $0xC80, $0x38;
	[tilespmem:$0x19C80] =	vst v63  }
0xd: {  	_ =	swait.ge [sflag:s7], $0xC80  }
0xe: {  	[sflag:s7] =	ssyncset.done $0x0  }
0xf: {  	[sflag:s7] =	ssyncadd.s32 $0xFFFFF380  }
0x10: {  	[tilespmem:s8], [sflag:$0x1] =	stream.indirect.gather [hbm4b:s3+s8], $0x20, s2, s8, $0xb8;
	[tilespmem:$0x19C80] =	vst v63  }
0x11: {  	_ =	swait.ge [sflag:s9], $0x19000  }
0x12: {  	[sflag:s9] =	ssyncset.done $0x0  }
0x13: {  	[sflag:s9] =	ssyncadd.s32 $0xFFFE7000  }
0x14: {  	[hbm4b:s6+s2] =	stream.linear.scatter [tilespmem:s8], [sflag:$0x2], $0x19000, $0x38;
	[tilespmem:$0x19C80] =	vst v63  }
0x15: {  	s12 =	simm.s32 $0x190;
	_ =	swait.ge [sflag:s7], $0x19000  }
0x16: {  	s13 =	simm.s32 $0x320;
	s11 =	sadd.s32 $0x3200, s6;
	[sflag:s7] =	ssyncset.done $0x0  }
.LBB2_2:
0x17: {  	s14 =	sadd.s32 s12, s5  }
0x18: {  	[sflag:s7] =	ssyncadd.s32 $0xFFFE7000;
	s12 =	smov.u32 s13;
	s15 =	sadd.s32 $0x190, s13  }
0x19: {  	[tilespmem:s2], [sflag:$0x2] =	stream.linear.gather [hbm4b:s14+s2], $0xC80, $0x38;
	[tilespmem:$0x19C80] =	vst v63  }
0x1a: {  	p0 =	sne.s32 s13, $0xAF0;
	_ =	swait.ge [sflag:s7], $0xC80  }
0x1b: {  	[sflag:s7] =	ssyncset.done $0x0  }
0x1c: {  	[sflag:s7] =	ssyncadd.s32 $0xFFFFF380  }
0x1d: {  	[tilespmem:s8], [sflag:$0x1] =	stream.indirect.gather [hbm4b:s3+s8], $0x20, s2, s8, $0xb8;
	[tilespmem:$0x19C80] =	vst v63  }
0x1e: {  	_ =	swait.ge [sflag:s9], $0x19000  }
.Ltmp0:
0x1f: {  	[sflag:s9] =	ssyncset.done $0x0;
	(pc) =	sbr.rel @p0 .LBB2_2-.Ltmp0, $4  }
0x20: {  	[sflag:s9] =	ssyncadd.s32 $0xFFFE7000  }
0x21: {  	[hbm4b:s11+s2] =	stream.linear.scatter [tilespmem:s8], [sflag:$0x2], $0x19000, $0x38;
	[tilespmem:$0x19C80] =	vst v63  }
0x22: {  	_ =	swait.ge [sflag:s7], $0x19000  }
0x23: {  	s13 =	smov.u32 s15;
	s11 =	sadd.s32 $0x3200, s11;
	[sflag:s7] =	ssyncset.done $0x0  }
0x24: {  	s12 =	sadd.s32 s12, s5;
	[sflag:s7] =	ssyncadd.s32 $0xFFFE7000  }
0x25: {  	[tilespmem:s2], [sflag:$0x2] =	stream.linear.gather [hbm4b:s12+s2], $0xC80, $0x38;
	[tilespmem:$0x19C80] =	vst v63  }
0x26: {  	_ =	swait.ge [sflag:s7], $0xC80  }
0x27: {  	[sflag:s7] =	ssyncset.done $0x0  }
0x28: {  	[sflag:s7] =	ssyncadd.s32 $0xFFFFF380  }
0x29: {  	[tilespmem:s8], [sflag:$0x1] =	stream.indirect.gather [hbm4b:s3+s8], $0x20, s2, s8, $0xb8;
	[tilespmem:$0x19C80] =	vst v63  }
0x2a: {  	s10 =	sadd.s32 $0x1, s10;
	_ =	swait.ge [sflag:s9], $0x19000  }
0x2b: {  	p0 =	sne.s32 s10, s4;
	[sflag:s9] =	ssyncset.done $0x0  }
.Ltmp1:
0x2c: {  	[sflag:s9] =	ssyncadd.s32 $0xFFFE7000;
	(pc) =	sbr.rel @p0 .LBB2_1-.Ltmp1, $4  }
0x2d: {  	[hbm4b:s11+s2] =	stream.linear.scatter [tilespmem:s8], [sflag:$0x2], $0x19000, $0x38;
	[tilespmem:$0x19C80] =	vst v63  }
0x2e: {  	_ =	swait.ge [sflag:s7], $0x19000  }
0x2f: {  	[sflag:s7] =	ssyncset.done $0x0  }
0x30: {  	[sflag:s7] =	ssyncadd.s32 $0xFFFE7000  }
0x31: {  	_ =	sfence.sel $0x180000  }
0x32: {  	[bflag:$0x0] =	sbarrier.arrive $0xFFFF  }
0x33: {  	p0 =	sne.s32 s0, $0x0;
	_ =	strace $0x90000047  }
0x34: {  	s0 =	sadd.s32 @!p0 $0x100000, s1;
	[bflag:$0x2] =	sbarrier.arrive $0xFFFF  }
0x35: {  	[sflag:s0] =	ssyncadd.tile.s32 @!p0 $0x1;
	_ =	shalt  }
.Lfunc_end2:
_tile_overlayer_lowered:
.L_overlay_start_2:
0x36: {  	(tag) =	ssettag $0x2  }
0x37: {  	s0 =	rddreg [dreg:$0x0];
	s2 =	stileid.u32  }
0x38: {  	s1 =	rddreg [dreg:$0x1];
	p0 =	sne.s32 s2, $0x0  }
0x39: {  	s3 =	rddreg [dreg:$0x2];
	[bflag:$0x3] =	sbarrier.arrive $0xFFFF;
	s2 =	simm.s32 @!p0 $0x1C02  }
0x3a: {  	[timem:s3], [sflag:s2] =	dma.local @!p0 [hbm:s0], s1  }
0x3b: {  	s0 =	simm.s32 @!p0 $0x2  }
0x3c: {  	_ =	swait.ge @!p0 [sflag:s0], s1  }
0x3d: {  	s1 =	ssub.s32 @!p0 $0x0, s1;
	[sflag:s0] =	ssyncset.done @!p0 $0x0  }
0x3e: {  	[sflag:s0] =	ssyncadd.s32 @!p0 s1  }
0x3f: {  	[bflag:$0x3] =	sbarrier.arrive $0xFFFF  }
0x40: {  	_ =	shalt  }

// kernel: sparse-core-data-format-call.1.cloned.1.call-start
scs
called_computation.1_lowered:
.L_overlay_start_0:
0x0: {  	s2 =	sld [smem:$0x3FD9]  }
0x1: {  	s3 =	sld [smem:$0x3FFE];
	_ =	sdelay $0x1  }
0x2: {  	s1 =	srdreg.scid  }
0x3: {  	s0 =	sand.u32 $0x1, s1  }
0x4: {  	s18 =	sshll.u32 s0, $0xA;
	s2 =	sadd.s32 s3, s2  }
0x5: {  	s2 =	sadd.s32 s2, s18  }
0x6: {  	[smem:$0x3FC6] =	sst s2  }
0x7: {  	_ = 	snop  }
0x8: {  	s2 =	sld [smem:$0x3FD0];
	(tm) =	ssettm $0x1  }
0x9: {  	s19 =	sld [smem:$0x3FFB];
	_ =	sdelay $0x3  }
0xa: {  	_ =	strace s19  }
0xb: {  	s3 =	sld [smem:$0x3FFC];
	_ =	sdelay $0x3  }
0xc: {  	_ =	strace s3  }
0xd: {  	s3 =	sld [smem:$0x3FFD];
	_ =	sdelay $0x3  }
0xe: {  	_ =	strace s3  }
0xf: {  	_ =	strace $0x8FFFFFFF  }
0x10: {  	s20 =	sld [smem:$0x3FDB];
	_ =	sdelay $0x1  }
0x11: {  	s4 =	simm.s32 $_scs_section_size  }
0x12: {  	s5 =	simm.s32 $_size__tile_overlayer_lowered;
	s6 =	simm.s32 $_tile_overlayer_lowered  }
0x13: {  	s23 =	simm.s32 $0x1BFF;
	s22 =	sshll.u32 s6, $0x1;
	s3 =	sadd.s32 s4, s20  }
0x14: {  	s7 =	simm.s32 $0x0;
	s21 =	sshll.u32 s5, $0x1;
	s5 =	sadd.s32 s22, s3  }
0x15: {  	[timem:s7], [sflag:s23] =	dma.local [hbm:s5], s21  }
0x16: {  	_ =	swait.ge [sflag:s23], s21  }
0x17: {  	s4 =	ssub.s32 $0x0, s21;
	[sflag:s23] =	ssyncset.done $0x0  }
0x18: {  	[sflag:s23] =	ssyncadd.s32 s4;
	_ =	sdelay $0x1  }
0x19: {  	s24 =	simm.s32 $0x1B8B  }
0x1a: {  	_ =	swait.ge [sflag:s24], $0x1  }
0x1b: {  	[sflag:s24] =	ssyncset.done $0x0  }
0x1c: {  	s26 =	simm.s32 $0x1B8E;
	s25 =	sld [smem:$0x3FFE];
	[sflag:s24] =	ssyncadd.s32 $0xFFFFFFFF  }
0x1d: {  	s27 =	simm.s32 $execute0_lowered;
	[smem:$0x3FD2] =	sst s26  }
0x1e: {  	s5 =	sshll.u32 s27, $0x1;
	_ =	strace $0x80000049;
	[dreg:$0x1] =	wrdreg $0xFFFFFFFF  }
0x1f: {  	s28 =	simm.s32 $_size_execute0_lowered;
	s3 =	sadd.s32 s3, s5;
	[dreg:$0x0] =	wrdreg $0x0  }
0x20: {  	s5 =	sshll.u32 s28, $0x1;
	[dreg:$0x2] =	wrdreg s3  }
0x21: {  	[dreg:$0x3] =	wrdreg s5  }
0x22: {  	[dreg:$0x4] =	wrdreg $0xC0  }
0x23: {  	_ =	task [dreg:s7], $0x5FFFF  }
0x24: {  	[dreg:$0x1] =	wrdreg $0xFFFFFFFF  }
0x25: {  	[dreg:$0x0] =	wrdreg $0x60  }
0x26: {  	[dreg:$0x2] =	wrdreg s25  }
0x27: {  	[dreg:$0x3] =	wrdreg s2  }
0x28: {  	[dreg:$0x4] =	wrdreg $0x9  }
0x29: {  	_ =	task.clear_ibuf [dreg:s7], $0x5FFFF;
	_ =	strace $0x90000049  }
0x2a: {  	s29 =	simm.s32 $0x9;
	_ =	strace $0x8000004B  }
0x2b: {  	_ =	swait.ge [sflag:s29], $0x1  }
0x2c: {  	[sflag:s29] =	ssyncadd.s32 $0xFFFFFFFF  }
0x2d: {  	_ =	strace $0x9000004B  }
0x2e: {  	_ =	sfence  }
0x2f: {  	s30 =	sld [smem:$0x0];
	_ =	sdelay $0x2  }
0x30: {  	s31 =	sshll.u32 s1, $0xD;
	s1 =	sshrl.u32 s1, $0x2  }
0x31: {  	s3 =	sand.u32 $0x4000, s31;
	s1 =	sadd.s32 s1, s30  }
0x32: {  	s0 =	sor.u32 s3, s0;
	s1 =	sshll.u32 s1, $0x11  }
0x33: {  	s0 =	sor.u32 s1, s0  }
0x34: {  	s0 =	sadd.s32 $0x8F2B, s0  }
0x35: {  	[sflag:s0] =	ssyncadd.remote.s32 $0x1  }
0x36: {  	_ =	sfence.sel $0xFFFF  }
0x37: {  	[dreg:$0x0] =	wrdreg $0xFFFFFFFF;
	(pc) =	sbr.abs _section_cstart, $3  }
0x38: {  	[dreg:$0x1] =	wrdreg $0xFFFFFFFF  }
0x39: {  	_ =	task.clear_ibuf [dreg:s7], $0x2FFFF;
	_ =	strace $0x9FFFFFFF  }
0x3a: {  	(tm) =	ssettm $0x7FFFFFFF  }
0x3b: {  	_ =	shalt  }
tec
execute0_lowered:
.L_overlay_start_1:
0x0: {  	(tag) =	ssettag $0x1  }
0x1: {  	s0 =	srdreg.scid  }
0x2: {  	s1 =	sshll.u32 s0, $0x4  }
0x3: {  	s4 =	rddreg [dreg:$0x0];
	s0 =	stileid.u32;
	s1 =	sand.u32 $0x10, s1  }
0x4: {  	s2 =	rddreg [dreg:$0x1];
	s7 =	simm.s32 $0x1;
	s1 =	sor.u32 s0, s1  }
0x5: {  	s8 =	simm.s32 $0x2;
	s11 =	simm.s32 $0x0;
	s3 =	sshll.u32 s1, $0x7  }
0x6: {  	s10 =	simm.s32 $0x0;
	s4 =	sadd.s32 $0xE00, s4;
	s6 =	ssub.s32 $0xC8000, s3  }
.Ltmp0:
0x7: {  	s1 =	rddreg [dreg:$0x2];
	s5 =	sand.u32 $0xF80, s6;
	(pc) =	sbr.rel .LBB1_1-.Ltmp0, $4  }
0x8: {  	_ =	strace $0x8000004A;
	s9 =	smov.u32 s3;
	p0 =	sne.s32 s5, $0x0  }
0x9: {  	s6 =	sshrl.u32 s6, $0xC;
	s5 =	simm.s32 $0x1;
	s7 =	simm.s32 @!p0 $0x0  }
0xa: {  	[sflag:s5] =	ssyncpa.u1 $0x0;
	p0 =	por $0x0, $0x0;
	s6 =	sadd.s32 s7, s6  }
0xb: {  	[sflag:s8] =	ssyncpa.u1 $0x0;
	s8 =	simm.s32 $0x640000;
	s7 =	sadd.s32 $0x1, s6  }
.LBB1_4:
0xc: {  	s14 =	sshll.u32 s11, $0x3  }
0xd: {  	s30 =	sand.u32 $0x7F, s11;
	s15 =	sand.u32 $0xFFFFFC00, s14  }
0xe: {  	s11 =	sor.u32 s30, s15  }
0xf: {  	s15 =	smulhi.u32 $0x51EB851F, s11  }
0x10: {  	s14 =	smulhi.u32 $0x51EB851F, s14  }
0x11: {  	s15 =	sshrl.u32 s15, $0x12  }
0x12: {  	s14 =	sshrl.u32 s14, $0x12;
	s15 =	smul.u32 $0xC8000, s15  }
0x13: {  	s14 =	sand.u32 $0x1F, s14  }
0x14: {  	s14 =	smul.u32 $0x19000, s14;
	s11 =	ssub.s32 s11, s15  }
0x15: {  	s15 =	sand.u32 $0x7, s11  }
0x16: {  	s14 =	sadd.s32 s2, s14;
	s11 =	sshrl.u32 s11, $0x3;
	s15 =	sshll.u32 s15, $0x12  }
0x17: {  	[tilespmem:s13+$0x0 ss:$0x81] =	vst.msk $0xffff, v0;
	s11 =	sadd.s32 s11, s14;
	s31 =	sor.u32 $0x400, s15  }
0x18: {  	[hbm4b:s11+s31] =	stream.strided.scatter [tilespmem:s12], [sflag:$0x2], $0x1000, s8, s31, $0x20;
	[tilespmem:$0x4040] =	vst v63  }
.LBB1_5:
0x19: {  	s13 =	sadd.s32 $0x1000, s9  }
0x1a: {  	p2 =	sgt.s32 s13, $0xC7FFF  }
0x1b: {  	s13 =	smov.u32 @p2 s3;
	p2 =	sne.s32 s10, s7  }
.Ltmp1:
0x1c: {  	p1 =	slt.u32 s10, $0x2;
	(pc) =	sbr.rel @!p2 .LBB1_6-.Ltmp1, $4  }
0x1d: {  	s12 =	simm.s32 @!p1 $0x2  }
0x1e: {  	s14 =	sadd.s32 $0x1, s10;
	_ =	swait.ge @!p1 [sflag:s12], $0x1000  }
0x1f: {  	s11 =	smov.u32 s9;
	p0 =	por !p0, !p0;
	[sflag:s12] =	ssyncset.done @!p1 $0x0  }
0x20: {  	s10 =	smov.u32 s14;
	s9 =	smov.u32 s13;
	[sflag:s12] =	ssyncadd.s32 @!p1 $0xFFFFF000  }
.LBB1_1:
0x21: {  	p1 =	sge.u32 s10, s6  }
0x22: {  	s12 =	sand.u32 @!p1 $0x1FFFFFF, s9  }
0x23: {  	s13 =	smulhi.u32 @!p1 $0x147AE15, s12;
	_ =	sdelay $0x1  }
0x24: {  	s13 =	sshrl.u32 @!p1 s13, $0xC  }
0x25: {  	s13 =	smul.u32 @!p1 $0xC8000, s13;
	_ =	sdelay $0x1  }
0x26: {  	s31 =	sadd.s32 $0xFFFFFFFF, s10;
	s14 =	sxor.u32 @!p1 $0xFFFFFFFF, s10;
	s12 =	ssub.s32 @!p1 s12, s13  }
0x27: {  	s15 =	simm.s32 @!p1 $0x80;
	s14 =	sshll.u32 @!p1 s14, $0xC;
	s12 =	sshll.u32 @!p1 s12, $0x4  }
0x28: {  	s13 =	sand.u32 @!p1 $0x1000, s14;
	s14 =	simm.s32 @!p1 $0x20;
	s12 =	sadd.s32 @!p1 s4, s12  }
0x29: {  	[tilespmem:s13], [sflag:$0x1] =	stream.strided.gather @!p1 [hbm4b:s12+s14], $0x1000, s15, s14, $0x38;
	[tilespmem:$0x4040] =	vst v63  }
0x2a: {  	p1 =	sge.u32 s31, s6  }
.Ltmp2:
0x2b: {  	_ = 	snop;
	(pc) =	sbr.rel @p1 .LBB1_5-.Ltmp2, $1  }
0x2c: {  	_ =	sdelay $0x3  }
0x2d: {  	s12 =	simm.s32 $0x1  }
0x2e: {  	_ =	swait.ge [sflag:s5], $0x1000;
	s12 =	simm.s32 @!p0 $0x0  }
0x2f: {  	[sflag:s5] =	ssyncset.done $0x0;
	s13 =	sshll.u32 s12, $0xC  }
0x30: {  	[sflag:s5] =	ssyncadd.s32 $0xFFFFF000;
	s16 =	sor.u32 $0x10, s13  }
0x31: {  	s12 =	smul.u32 $0x4080, s12;
	v1 =	vld [tilespmem:s16+$0x0]  }
0x32: {  	s30 =	sand.u32 $0x1, s10;
	v0 =	vld [tilespmem:s16+$0xFFFFFFF0]  }
0x33: {  	s13 =	smul.u32 $0x4080, s30;
	s12 =	sshrl.u32 s12, $0x2  }
0x34: {  	s14 =	sor.u32 $0x2000, s12  }
0x35: {  	s31 =	sshrl.u32 s13, $0x2;
	s13 =	sadd.s32 $0x0, s14  }
0x36: {  	s15 =	simm.s32 $0x4;
	s16 =	sadd.s32 $0x20, s16;
	s12 =	sor.u32 $0x2000, s31;
	[tilespmem:s13+$0x810 ss:$0x81] =	vst.msk $0xffff, v1  }
.LBB1_3:
0x37: {  	v1 =	vld [tilespmem:s16+$0x0];
	p1 =	sne.s32 s15, $0x1FC;
	[tilespmem:s13+$0x0 ss:$0x81] =	vst.msk $0xffff, v0;
	s13 =	smov.u32 s15;
	s15 =	sadd.s32 $0x4, s15  }
.Ltmp3:
0x38: {  	v0 =	vld [tilespmem:s16+$0xFFFFFFF0];
	(pc) =	sbr.rel @p1 .LBB1_3-.Ltmp3, $4  }
0x39: {  	_ = 	snop  }
0x3a: {  	s13 =	sshra.s32 s13, $0x2  }
0x3b: {  	s13 =	sadd.s32 s13, s14  }
0x3c: {  	s16 =	sadd.s32 $0x20, s16;
	[tilespmem:s13+$0x810 ss:$0x81] =	vst.msk $0xffff, v1  }
.Ltmp4:
0x3d: {  	_ = 	snop;
	(pc) =	sbr.rel .LBB1_4-.Ltmp4, $1  }
0x3e: {  	_ =	sdelay $0x3  }
.LBB1_6:
0x3f: {  	_ =	sfence.sel $0x180000  }
0x40: {  	s2 =	simm.s32 $0x1;
	[bflag:$0x0] =	sbarrier.arrive $0xFFFF  }
0x41: {  	s31 =	simm.s32 $0x2;
	[sflag:s2] =	ssyncpa.u1 $0x1  }
0x42: {  	[sflag:s31] =	ssyncpa.u1 $0x1  }
0x43: {  	p0 =	sne.s32 s0, $0x0;
	_ =	strace $0x9000004A  }
0x44: {  	s0 =	sadd.s32 @!p0 $0x100000, s1;
	[bflag:$0x2] =	sbarrier.arrive $0xFFFF  }
0x45: {  	[sflag:s0] =	ssyncadd.tile.s32 @!p0 $0x1;
	_ =	shalt  }
.Lfunc_end1:
_tile_overlayer_lowered:
.L_overlay_start_2:
0x46: {  	(tag) =	ssettag $0x2  }
0x47: {  	s0 =	rddreg [dreg:$0x0];
	s2 =	stileid.u32  }
0x48: {  	s1 =	rddreg [dreg:$0x1];
	p0 =	sne.s32 s2, $0x0  }
0x49: {  	s3 =	rddreg [dreg:$0x2];
	[bflag:$0x3] =	sbarrier.arrive $0xFFFF;
	s2 =	simm.s32 @!p0 $0x1C01  }
0x4a: {  	[timem:s3], [sflag:s2] =	dma.local @!p0 [hbm:s0], s1  }
0x4b: {  	s0 =	simm.s32 @!p0 $0x1  }
0x4c: {  	_ =	swait.ge @!p0 [sflag:s0], s1  }
0x4d: {  	s1 =	ssub.s32 @!p0 $0x0, s1;
	[sflag:s0] =	ssyncset.done @!p0 $0x0  }
0x4e: {  	[sflag:s0] =	ssyncadd.s32 @!p0 s1  }
0x4f: {  	[bflag:$0x3] =	sbarrier.arrive $0xFFFF  }
0x50: {  	_ =	shalt  }

// kernel: sparse-core-data-format-call.cloned.1.call-start
scs
called_computation_lowered:
.L_overlay_start_0:
0x0: {  	s2 =	sld [smem:$0x3FD9]  }
0x1: {  	s3 =	sld [smem:$0x3FFE];
	_ =	sdelay $0x1  }
0x2: {  	s1 =	srdreg.scid  }
0x3: {  	s0 =	sand.u32 $0x1, s1  }
0x4: {  	s18 =	sshll.u32 s0, $0xA;
	s2 =	sadd.s32 s3, s2  }
0x5: {  	s2 =	sadd.s32 s2, s18  }
0x6: {  	[smem:$0x3FC6] =	sst s2  }
0x7: {  	_ = 	snop  }
0x8: {  	s2 =	sld [smem:$0x3FD0];
	(tm) =	ssettm $0x1  }
0x9: {  	s19 =	sld [smem:$0x3FFB];
	_ =	sdelay $0x3  }
0xa: {  	_ =	strace s19  }
0xb: {  	s3 =	sld [smem:$0x3FFC];
	_ =	sdelay $0x3  }
0xc: {  	_ =	strace s3  }
0xd: {  	s3 =	sld [smem:$0x3FFD];
	_ =	sdelay $0x3  }
0xe: {  	_ =	strace s3  }
0xf: {  	_ =	strace $0x8FFFFFFF  }
0x10: {  	s20 =	sld [smem:$0x3FDB];
	_ =	sdelay $0x1  }
0x11: {  	s4 =	simm.s32 $_scs_section_size  }
0x12: {  	s5 =	simm.s32 $_size__tile_overlayer_lowered;
	s6 =	simm.s32 $_tile_overlayer_lowered  }
0x13: {  	s23 =	simm.s32 $0x1BFF;
	s22 =	sshll.u32 s6, $0x1;
	s3 =	sadd.s32 s4, s20  }
0x14: {  	s7 =	simm.s32 $0x0;
	s21 =	sshll.u32 s5, $0x1;
	s5 =	sadd.s32 s22, s3  }
0x15: {  	[timem:s7], [sflag:s23] =	dma.local [hbm:s5], s21  }
0x16: {  	_ =	swait.ge [sflag:s23], s21  }
0x17: {  	s4 =	ssub.s32 $0x0, s21;
	[sflag:s23] =	ssyncset.done $0x0  }
0x18: {  	[sflag:s23] =	ssyncadd.s32 s4;
	_ =	sdelay $0x1  }
0x19: {  	s24 =	simm.s32 $0x1B8B  }
0x1a: {  	_ =	swait.ge [sflag:s24], $0x1  }
0x1b: {  	[sflag:s24] =	ssyncset.done $0x0  }
0x1c: {  	s26 =	simm.s32 $0x1B8E;
	s25 =	sld [smem:$0x3FFE];
	[sflag:s24] =	ssyncadd.s32 $0xFFFFFFFF  }
0x1d: {  	s27 =	simm.s32 $execute0_lowered;
	[smem:$0x3FD2] =	sst s26  }
0x1e: {  	s5 =	sshll.u32 s27, $0x1;
	_ =	strace $0x8000004C;
	[dreg:$0x1] =	wrdreg $0xFFFFFFFF  }
0x1f: {  	s28 =	simm.s32 $_size_execute0_lowered;
	s3 =	sadd.s32 s3, s5;
	[dreg:$0x0] =	wrdreg $0x0  }
0x20: {  	s5 =	sshll.u32 s28, $0x1;
	[dreg:$0x2] =	wrdreg s3  }
0x21: {  	[dreg:$0x3] =	wrdreg s5  }
0x22: {  	[dreg:$0x4] =	wrdreg $0xC0  }
0x23: {  	_ =	task [dreg:s7], $0x5FFFF  }
0x24: {  	[dreg:$0x1] =	wrdreg $0xFFFFFFFF  }
0x25: {  	[dreg:$0x0] =	wrdreg $0x60  }
0x26: {  	[dreg:$0x2] =	wrdreg s25  }
0x27: {  	[dreg:$0x3] =	wrdreg s2  }
0x28: {  	[dreg:$0x4] =	wrdreg $0x9  }
0x29: {  	_ =	task.clear_ibuf [dreg:s7], $0x5FFFF;
	_ =	strace $0x9000004C  }
0x2a: {  	s29 =	simm.s32 $0x9;
	_ =	strace $0x8000004E  }
0x2b: {  	_ =	swait.ge [sflag:s29], $0x1  }
0x2c: {  	[sflag:s29] =	ssyncadd.s32 $0xFFFFFFFF  }
0x2d: {  	_ =	strace $0x9000004E  }
0x2e: {  	_ =	sfence  }
0x2f: {  	s30 =	sld [smem:$0x0];
	_ =	sdelay $0x2  }
0x30: {  	s31 =	sshll.u32 s1, $0xD;
	s1 =	sshrl.u32 s1, $0x2  }
0x31: {  	s3 =	sand.u32 $0x4000, s31;
	s1 =	sadd.s32 s1, s30  }
0x32: {  	s0 =	sor.u32 s3, s0;
	s1 =	sshll.u32 s1, $0x11  }
0x33: {  	s0 =	sor.u32 s1, s0  }
0x34: {  	s0 =	sadd.s32 $0x8F2B, s0  }
0x35: {  	[sflag:s0] =	ssyncadd.remote.s32 $0x1  }
0x36: {  	_ =	sfence.sel $0xFFFF  }
0x37: {  	[dreg:$0x0] =	wrdreg $0xFFFFFFFF;
	(pc) =	sbr.abs _section_cstart, $3  }
0x38: {  	[dreg:$0x1] =	wrdreg $0xFFFFFFFF  }
0x39: {  	_ =	task.clear_ibuf [dreg:s7], $0x2FFFF;
	_ =	strace $0x9FFFFFFF  }
0x3a: {  	(tm) =	ssettm $0x7FFFFFFF  }
0x3b: {  	_ =	shalt  }
tec
execute0_lowered:
.L_overlay_start_1:
0x0: {  	(tag) =	ssettag $0x1  }
0x1: {  	s8 =	rddreg [dreg:$0x0]  }
0x2: {  	s2 =	rddreg [dreg:$0x1];
	s1 =	stileid.u32  }
0x3: {  	s4 =	srdreg.scid;
	s0 =	rddreg [dreg:$0x2];
	_ =	strace $0x8000004D  }
0x4: {  	s9 =	simm.s32 $0x1;
	s31 =	simm.s32 $0x2;
	s16 =	simm.s32 $0x0  }
0x5: {  	s17 =	simm.s32 $0x0;
	s11 =	simm.s32 $0x0;
	s12 =	simm.s32 $0x0  }
0x6: {  	s15 =	simm.s32 $0x0;
	s3 =	sshll.u32 s1, $0x1;
	s4 =	sshll.u32 s4, $0x7  }
0x7: {  	s4 =	sand.u32 $0x80, s4;
	s5 =	ssub.s32 $0x20, s3;
	s14 =	smov.u32 s3  }
0x8: {  	s6 =	sshrl.u32 s5, $0x5;
	s5 =	sand.u32 $0x1E, s5;
	s7 =	ssub.s32 $0x4000, s4  }
0x9: {  	p0 =	sne.s32 s5, $0x0;
	s30 =	sshrl.u32 s7, $0x7;
	s7 =	sshrl.u32 s7, $0x8  }
.Ltmp0:
0xa: {  	s9 =	simm.s32 @!p0 $0x0;
	s10 =	sand.u32 $0x1, s30;
	(pc) =	sbr.rel .LBB1_1-.Ltmp0, $4  }
0xb: {  	s5 =	simm.s32 $0x1;
	s6 =	sadd.s32 s9, s6;
	s7 =	sadd.s32 s7, s10  }
0xc: {  	s13 =	smov.u32 s4;
	[sflag:s5] =	ssyncpa.u1 $0x0;
	s6 =	smul.u32 s6, s7  }
0xd: {  	p0 =	por $0x0, $0x0;
	[sflag:s31] =	ssyncpa.u1 $0x0;
	s10 =	simm.s32 $0x80000  }
0xe: {  	s7 =	sadd.s32 $0xE00, s8;
	s8 =	sadd.s32 $0x40E00, s8;
	s9 =	sadd.s32 $0x1, s6  }
.LBB1_7:
0xf: {  	p1 =	slt.u32 s15, $0x2  }
0x10: {  	s19 =	smov.u32 s17;
	p2 =	sgt.s32 @!p1 s17, $0x1E;
	s18 =	sshra.s32 @!p1 s17, $0x1F  }
0x11: {  	p3 =	sgt.s32 @!p1 s16, $0x3F80;
	s20 =	sshra.s32 @!p1 s16, $0x1F;
	p2 =	por !p2, p1  }
0x12: {  	s17 =	sand.u32 @!p1 s18, s17;
	p3 =	por !p3, p1;
	s18 =	smov.u32 s16  }
0x13: {  	s16 =	sand.u32 @!p1 s20, s16;
	s19 =	simm.s32 @p2 $0x1E;
	s18 =	simm.s32 @p3 $0x3F80  }
0x14: {  	s20 =	smov.u32 s14;
	s17 =	ssub.s32 @!p1 s19, s17;
	s16 =	ssub.s32 @!p1 s18, s16  }
0x15: {  	s18 =	sadd.s32 @!p1 $0xFFFFFFE2, s17;
	s17 =	ssub.s32 @!p1 $0x20, s17;
	s19 =	sadd.s32 @!p1 $0xFFFFC080, s16  }
0x16: {  	p2 =	sgt.s32 @!p1 s18, $0x1;
	s17 =	smul.u32 @!p1 $0x32, s17;
	p3 =	sgt.s32 @!p1 s19, $0x7F  }
0x17: {  	s16 =	ssub.s32 @!p1 $0x4000, s16;
	p2 =	por !p2, p1;
	p3 =	por !p3, p1  }
0x18: {  	s18 =	sadd.s32 $0x100, s13;
	s17 =	simm.s32 @!p2 $0x0;
	s16 =	simm.s32 @!p3 $0x0  }
0x19: {  	p2 =	sgt.s32 s18, $0x3FFF;
	s16 =	smul.u32 @!p1 s16, s17;
	s17 =	sadd.s32 $0x20, s14  }
0x1a: {  	s20 =	smov.u32 @p2 s17  }
0x1b: {  	s18 =	smov.u32 @p2 s4;
	p2 =	sgt.s32 s20, $0x1F  }
0x1c: {  	s20 =	smov.u32 @p2 s3;
	p2 =	sne.s32 s15, s9  }
.Ltmp1:
0x1d: {  	p0 =	por !p0, !p0;
	s19 =	simm.s32 @!p1 $0x2;
	(pc) =	sbr.rel @!p2 .LBB1_8-.Ltmp1, $4  }
0x1e: {  	s17 =	smov.u32 s12;
	s12 =	smov.u32 s14;
	s16 =	sand.u32 @!p1 $0x3FFFFFFE, s16  }
0x1f: {  	_ =	swait.ge @!p1 [sflag:s19], s16;
	s21 =	ssub.s32 @!p1 $0x0, s16;
	s16 =	smov.u32 s11  }
0x20: {  	s15 =	sadd.s32 $0x1, s15;
	s11 =	smov.u32 s13;
	[sflag:s19] =	ssyncset.done @!p1 $0x0  }
0x21: {  	s13 =	smov.u32 s18;
	s14 =	smov.u32 s20;
	[sflag:s19] =	ssyncadd.s32 @!p1 s21  }
.LBB1_1:
0x22: {  	p1 =	sge.u32 s15, s6  }
0x23: {  	s18 =	sxor.u32 @!p1 $0xFFFFFFFF, s15;
	s19 =	sshll.u32 @!p1 s14, $0x12  }
0x24: {  	s20 =	sshll.u32 @!p1 s13, $0x4;
	s22 =	simm.s32 @!p1 $0x40;
	s23 =	simm.s32 @!p1 $0x80  }
0x25: {  	s18 =	sshll.u32 @!p1 s18, $0xE;
	s20 =	sand.u32 @!p1 $0x3FFF0, s20;
	s21 =	sadd.s32 @!p1 s7, s19  }
0x26: {  	s19 =	sadd.s32 @!p1 s19, s8;
	s18 =	sand.u32 @!p1 $0x4000, s18;
	s21 =	sadd.s32 @!p1 s20, s21  }
0x27: {  	[tilespmem:s18], [sflag:$0x1] =	stream.strided.gather @!p1 [hbm4b:s21+s22], $0x2000, s23, s22, $0x38;
	[tilespmem:$0x10100] =	vst v63  }
0x28: {  	s31 =	sadd.s32 $0xFFFFFFFF, s15;
	s19 =	sadd.s32 @!p1 s20, s19;
	s18 =	sor.u32 @!p1 $0x2000, s18  }
0x29: {  	[tilespmem:s18], [sflag:$0x1] =	stream.strided.gather @!p1 [hbm4b:s19+s22], $0x2000, s23, s22, $0x38;
	[tilespmem:$0x10100] =	vst v63  }
0x2a: {  	p1 =	sge.u32 s31, s6  }
.Ltmp2:
0x2b: {  	_ = 	snop;
	(pc) =	sbr.rel @p1 .LBB1_7-.Ltmp2, $1  }
0x2c: {  	_ =	sdelay $0x3  }
0x2d: {  	s18 =	simm.s32 $0x1;
	s20 =	sand.u32 $0x1, s15  }
0x2e: {  	_ =	swait.ge [sflag:s5], $0x4000;
	s18 =	simm.s32 @!p0 $0x0;
	s20 =	smul.u32 $0x10200, s20  }
0x2f: {  	p2 =	por $0x1, $0x1;
	[sflag:s5] =	ssyncset.done $0x0;
	s19 =	smul.u32 $0x10200, s18  }
0x30: {  	s21 =	sshll.u32 s18, $0x10;
	[sflag:s5] =	ssyncadd.s32 $0xFFFFC000;
	s30 =	sshrl.u32 s20, $0x2  }
0x31: {  	s31 =	sshrl.u32 s21, $0x2;
	s21 =	simm.s32 $0x0;
	s19 =	sshrl.u32 s19, $0x2  }
0x32: {  	s18 =	sor.u32 $0x8000, s30;
	s20 =	sadd.s32 $0x20, s31;
	s19 =	sor.u32 $0x8000, s19  }
.LBB1_3:
0x33: {  	s22 =	sshll.u32 s21, $0xD  }
0x34: {  	s22 =	sand.u32 $0x3FFFE000, s22  }
0x35: {  	s24 =	sadd.s32 s22, s20  }
0x36: {  	s31 =	smul.u32 $0x204, s21;
	v3 =	vld [tilespmem:s24+$0x10]  }
0x37: {  	v1 =	vld [tilespmem:s24+$0xFFFFFFF0]  }
0x38: {  	s21 =	sshra.s32 s31, $0x2;
	v0 =	vld [tilespmem:s24+$0x0]  }
0x39: {  	s21 =	sadd.s32 s21, s19;
	v2 =	vld [tilespmem:s24+$0xFFFFFFE0]  }
0x3a: {  	s22 =	sadd.s32 $0x0, s21  }
0x3b: {  	p1 =	por p2, p2;
	s23 =	simm.s32 $0x4;
	s24 =	sadd.s32 $0x40, s24;
	[tilespmem:s22+$0x3060 ss:$0x102] =	vst.msk $0xffff, v3  }
.LBB1_4:
0x3c: {  	v3 =	vld [tilespmem:s24+$0x10];
	p2 =	sne.s32 s23, $0x1FC;
	[tilespmem:s22+$0x1020 ss:$0x102] =	vst.msk $0xffff, v1;
	s25 =	smov.u32 s23;
	s23 =	sadd.s32 $0x4, s23  }
.Ltmp3:
0x3d: {  	v1 =	vld [tilespmem:s24+$0xFFFFFFF0];
	[tilespmem:s22+$0x2040 ss:$0x102] =	vst.msk $0xffff, v0;
	(pc) =	sbr.rel @p2 .LBB1_4-.Ltmp3, $4  }
0x3e: {  	v0 =	vld [tilespmem:s24+$0x0];
	[tilespmem:s22+$0x0 ss:$0x102] =	vst.msk $0xffff, v2  }
0x3f: {  	s22 =	sshra.s32 s25, $0x2;
	v2 =	vld [tilespmem:s24+$0xFFFFFFE0]  }
0x40: {  	s22 =	sadd.s32 s22, s21  }
0x41: {  	s24 =	sadd.s32 $0x40, s24;
	[tilespmem:s22+$0x3060 ss:$0x102] =	vst.msk $0xffff, v3  }
.Ltmp4:
0x42: {  	(pc) =	sbr.rel @p1 .LBB1_3-.Ltmp4, $4  }
0x43: {  	_ = 	snop  }
0x44: {  	[tilespmem:s22+$0x1020 ss:$0x102] =	vst.msk $0xffff, v1  }
0x45: {  	[tilespmem:s22+$0x2040 ss:$0x102] =	vst.msk $0xffff, v0  }
0x46: {  	s21 =	simm.s32 $0x1;
	p2 =	por $0x0, $0x0;
	[tilespmem:s22+$0x0 ss:$0x102] =	vst.msk $0xffff, v2  }
0x47: {  	s19 =	sand.u32 $0x78, s11;
	p1 =	sgt.s32 s12, $0x1E;
	s20 =	smov.u32 s12  }
0x48: {  	s21 =	sshra.s32 s12, $0x1F;
	s22 =	sshll.u32 s12, $0xE;
	s23 =	sshll.u32 s11, $0x3  }
0x49: {  	s30 =	sshra.s32 s11, $0x1F;
	s25 =	sshll.u32 s12, $0x7;
	s20 =	simm.s32 @!p1 $0x1E  }
0x4a: {  	s21 =	sand.u32 s21, s12;
	s22 =	sand.u32 $0x60000, s22;
	p1 =	sgt.s32 s11, $0x3F80  }
0x4b: {  	s25 =	sand.u32 $0x380, s25;
	s20 =	ssub.s32 s20, s21;
	s21 =	smov.u32 s11  }
0x4c: {  	s22 =	sadd.s32 s22, s23;
	s24 =	sadd.s32 $0xFFFFFFE2, s20;
	s21 =	simm.s32 @!p1 $0x3F80  }
0x4d: {  	s20 =	ssub.s32 $0x20, s20;
	p1 =	sgt.s32 s24, $0x1;
	s24 =	sand.u32 s30, s11  }
0x4e: {  	s23 =	sand.u32 $0x3C00, s23;
	s20 =	smul.u32 $0x32, s20;
	s21 =	ssub.s32 s21, s24  }
0x4f: {  	s19 =	sor.u32 s25, s19;
	s22 =	sand.u32 $0x7C000, s22;
	s24 =	sadd.s32 $0xFFFFC080, s21  }
0x50: {  	s20 =	simm.s32 @p1 $0x0;
	s21 =	ssub.s32 $0x4000, s21;
	p1 =	sgt.s32 s24, $0x7F  }
.Ltmp5:
0x51: {  	s19 =	sor.u32 s23, s19;
	s21 =	simm.s32 @p1 $0x0;
	(pc) =	sbr.rel .LBB1_7-.Ltmp5, $4  }
0x52: {  	s31 =	sand.u32 $0x7, s11;
	s19 =	sor.u32 s22, s19;
	s20 =	smul.u32 s21, s20  }
0x53: {  	s19 =	sshrl.u32 s19, $0x3;
	s21 =	sshll.u32 s31, $0x12  }
0x54: {  	s19 =	sadd.s32 s2, s19;
	s21 =	sor.u32 $0x100, s21;
	s20 =	sand.u32 $0x3FFFFFFE, s20  }
0x55: {  	[hbm4b:s19+s21] =	stream.strided.scatter [tilespmem:s18], [sflag:$0x2], s20, s10, s21, $0x20;
	[tilespmem:$0x10100] =	vst v63  }
.LBB1_8:
0x56: {  	_ =	sfence.sel $0x180000  }
0x57: {  	s2 =	simm.s32 $0x1;
	[bflag:$0x0] =	sbarrier.arrive $0xFFFF  }
0x58: {  	s31 =	simm.s32 $0x2;
	[sflag:s2] =	ssyncpa.u1 $0x1  }
0x59: {  	[sflag:s31] =	ssyncpa.u1 $0x1  }
0x5a: {  	p0 =	sne.s32 s1, $0x0;
	_ =	strace $0x9000004D  }
0x5b: {  	s0 =	sadd.s32 @!p0 $0x100000, s0;
	[bflag:$0x2] =	sbarrier.arrive $0xFFFF  }
0x5c: {  	[sflag:s0] =	ssyncadd.tile.s32 @!p0 $0x1;
	_ =	shalt  }
.Lfunc_end1:
_tile_overlayer_lowered:
.L_overlay_start_2:
0x5d: {  	(tag) =	ssettag $0x2  }
0x5e: {  	s0 =	rddreg [dreg:$0x0];
	s2 =	stileid.u32  }
0x5f: {  	s1 =	rddreg [dreg:$0x1];
	p0 =	sne.s32 s2, $0x0  }
0x60: {  	s3 =	rddreg [dreg:$0x2];
	[bflag:$0x3] =	sbarrier.arrive $0xFFFF;
	s2 =	simm.s32 @!p0 $0x1C01  }
0x61: {  	[timem:s3], [sflag:s2] =	dma.local @!p0 [hbm:s0], s1  }
0x62: {  	s0 =	simm.s32 @!p0 $0x1  }
0x63: {  	_ =	swait.ge @!p0 [sflag:s0], s1  }
0x64: {  	s1 =	ssub.s32 @!p0 $0x0, s1;
	[sflag:s0] =	ssyncset.done @!p0 $0x0  }
0x65: {  	[sflag:s0] =	ssyncadd.s32 @!p0 s1  }
0x66: {  	[bflag:$0x3] =	sbarrier.arrive $0xFFFF  }
0x67: {  	_ =	shalt  }

</sc_bundles>
